<compile_context>
chip_gen: v7x
topology: tpu7x:2x2x1
jax: 0.10.2.dev20260603
libtpu: 0.0.44.dev20260713+nightly
codegen_flags: <defaults>
</compile_context>

<pallas_src>
import functools

import jax
import jax.numpy as jnp
from jax import lax
from jax.experimental import pallas as pl
from jax.experimental.pallas import tpu as pltpu
from jax.experimental.pallas import tpu_sc as plsc

_NC = 2
_NS = 16
_NW = _NC * _NS
_L = 16


def _sc_gather(cls_flat, logits_flat, n, c):
    rows_w = n // _NW
    chunks = rows_w // 128
    mesh = plsc.VectorSubcoreMesh(core_axis_name="c", subcore_axis_name="s",
                                  num_cores=_NC, num_subcores=_NS)

    @functools.partial(
        pl.kernel, mesh=mesh,
        out_type=jax.ShapeDtypeStruct((n,), jnp.float32),
        scratch_types=[
            pltpu.VMEM((rows_w,), jnp.int32),
            pltpu.VMEM((rows_w,), jnp.int32),
            pltpu.VMEM((rows_w,), jnp.float32),
            pltpu.SemaphoreType.DMA,
        ],
    )
    def k(cls_hbm, logits_hbm, g_hbm, cls_v, idx_v, g_v, sem):
        wid = lax.axis_index("s") * _NC + lax.axis_index("c")
        base = wid * rows_w
        pltpu.sync_copy(cls_hbm.at[pl.ds(base, rows_w)], cls_v)

        def chunk_body(j, carry):
            for b in range(8):
                off = j * 128 + b * _L
                lane = lax.iota(jnp.int32, _L)
                v = cls_v[pl.ds(off, _L)]
                safe = jnp.clip(v - 1, 0, c - 1)
                idx_v[pl.ds(off, _L)] = (base + off + lane) * c + safe
            pltpu.async_copy(
                logits_hbm.at[idx_v.at[pl.ds(j * 128, 128)]],
                g_v.at[pl.ds(j * 128, 128)], sem)
            return carry

        lax.fori_loop(0, chunks, chunk_body, 0)
        pltpu.make_async_copy(logits_hbm.at[pl.ds(0, rows_w)], g_v, sem).wait()
        pltpu.sync_copy(g_v, g_hbm.at[pl.ds(base, rows_w)])

    return k(cls_flat, logits_flat)


def _dense_body(x_ref, out_ref):
    i = pl.program_id(0)
    l = x_ref[:]
    th = jnp.tanh(0.5 * l)
    q = jnp.maximum(0.5 - 0.5 * th, 1e-37)
    s = jnp.sum(jnp.log(q) - q)

    @pl.when(i == 0)
    def _():
        out_ref[...] = jnp.zeros_like(out_ref)

    out_ref[...] += s.reshape(1, 1)


def _corr_body(s0_ref, g_ref, clsr_ref, iour_ref, out_ref, *, count):
    valid = clsr_ref[:] >= 1
    m = jnp.max(jnp.where(valid, iour_ref[:], 0)).astype(jnp.float32)
    lab = jnp.where(valid, iour_ref[:].astype(jnp.float32) * (1.0 / m), 0.0)
    l = g_ref[:]
    th = jnp.tanh(0.5 * l)
    q = jnp.maximum(0.5 - 0.5 * th, 1e-37)
    p = 1.0 - q
    sp = -jnp.log(q)
    c_neg = 0.75 * lab * (1.0 - sp)
    c_pos = 0.25 * lab * (sp - l - 1.0) + p - 0.75 * sp
    corr = jnp.where(p <= lab, c_pos, c_neg)
    out_ref[...] = (-0.75) * (s0_ref[...] + count) + jnp.sum(corr).reshape(1, 1)


def kernel(logits, targets):
    n, c = logits.shape
    cls_flat = targets[:, 0]
    clsr = cls_flat.reshape(n // 128, 128)
    iour = targets[:, 1].reshape(n // 128, 128)

    g = _sc_gather(cls_flat, logits.reshape(-1), n, c)

    bb = 4096
    s0 = pl.pallas_call(
        _dense_body,
        grid=(n // bb,),
        in_specs=[pl.BlockSpec((bb, c), lambda i: (i, 0))],
        out_specs=pl.BlockSpec((1, 1), lambda i: (0, 0)),
        out_shape=jax.ShapeDtypeStruct((1, 1), jnp.float32),
    )(logits)

    nr = n // 128
    out = pl.pallas_call(
        functools.partial(_corr_body, count=float(n * c)),
        in_specs=[
            pl.BlockSpec((1, 1), lambda: (0, 0)),
            pl.BlockSpec((nr, 128), lambda: (0, 0)),
            pl.BlockSpec((nr, 128), lambda: (0, 0)),
            pl.BlockSpec((nr, 128), lambda: (0, 0)),
        ],
        out_specs=pl.BlockSpec((1, 1), lambda: (0, 0)),
        out_shape=jax.ShapeDtypeStruct((1, 1), jnp.float32),
    )(s0, g.reshape(nr, 128), clsr, iour)
    return out[0, 0]

# --- scband reference (transcript-rebuilt; emitter-appended) ---
"""Pipeline reference for scband-sigmoid-warpage-loss-20461224198290 (READ-ONLY COPY).

The authoritative reference and input builder live on the scoring server;
editing this copy changes nothing except your own understanding.
"""

import jax, jax.numpy as jnp
import numpy as np

N = 524288
C = 80

def setup_inputs(seed: int = 0) -> dict:
    key = jax.random.key(seed)
    k1, k2 = jax.random.split(key)
    logits = jax.random.normal(k1, (N, C), dtype=jnp.float32)
    targets = jax.random.randint(k2, (N, 2), 0, 81, dtype=jnp.int32)
    return {"logits": logits, "targets": targets}


def reference(logits, targets):
    # Faithful translation of SigmoidWarpageLoss.forward intended semantics.
    # targets[:, 0]: class label 0..80 (0 = background); targets[:, 1]: soft IoU label.
    p = jax.nn.sigmoid(logits)
    cls = targets[:, 0].astype(jnp.int32) - 1          # shift so background -> -1
    iou = targets[:, 1].astype(logits.dtype)
    valid = cls >= 0                                   # label_ind_1 in the torch code
    rows = jnp.arange(logits.shape[0])
    safe_cls = jnp.clip(cls, 0, logits.shape[1] - 1)   # label_ind_2
    label = jnp.zeros_like(p)
    # scatter soft labels at (row, class); invalid rows write 0 into an already-zero cell
    label = label.at[rows, safe_cls].set(jnp.where(valid, iou, jnp.zeros_like(iou)))
    label = label / label.max()
    pos = p <= label                                   # pos_ind mask
    # F.binary_cross_entropy_with_logits(logits, zeros) == softplus(logits)
    bce_zero = jax.nn.softplus(logits)
    # F.binary_cross_entropy_with_logits(logits, ones) == softplus(-logits)
    bce_one = jax.nn.softplus(-logits)
    term_neg = (bce_zero * (1.0 - label) + (label - p)) * 0.75
    term_pos = (bce_one * label + (p - label)) * 0.25
    term1 = jnp.where(pos, term_pos, term_neg)
    return term1.sum()

if __name__ == "__main__":
    import jax
    _d = setup_inputs()
    print(jax.jit(kernel)(*tuple(_d.values())))

</pallas_src>

<mosaic_0001>
#map = affine_map<(d0, d1) -> (0)>
module attributes {stable_mosaic.version = 14 : i64} {
  func.func @k(%arg0: i32, %arg1: i32, %arg2: memref<524288xi32, #tpu.memory_space<hbm>>, %arg3: memref<41943040xf32, #tpu.memory_space<hbm>>, %arg4: memref<524288xf32, #tpu.memory_space<hbm>>, %arg5: memref<16384xi32, #tpu.memory_space<vmem>>, %arg6: memref<16384xi32, #tpu.memory_space<vmem>>, %arg7: memref<16384xf32, #tpu.memory_space<vmem>>, %arg8: memref<!tpu.dma_semaphore, #tpu.memory_space<semaphore_mem>>) attributes {dimension_semantics = [#tpu.dimension_semantics<core_parallel>, #tpu.dimension_semantics<subcore_parallel>], iteration_bounds = array<i64: 2, 16>, scalar_prefetch = 0 : i64, scratch_operands = 4 : i64, tpu.core_type = #tpu.core_type<sc_vector_subcore>, window_params = [{transform_indices = #map}, {transform_indices = #map}, {transform_indices = #map}]} {
    %mul3A = arith.constant 2 : i32
    %mul3A_0 = arith.muli %arg1, %mul3A : i32
    %add3A = arith.addi %mul3A_0, %arg0 : i32
    %mul3A_1 = arith.constant 16384 : i32
    %mul3A_2 = arith.muli %add3A, %mul3A_1 : i32
    "tpu.region"() ({
      %run_scoped3A = tpu.sem_alloc : memref<!tpu.dma_semaphore, #tpu.memory_space<semaphore_mem>>
      %dma_start3A = tpu.memref_slice %arg2[%mul3A_2] : memref<524288xi32, #tpu.memory_space<hbm>> -> memref<16384xi32, #tpu.memory_space<hbm>>
      %dma_start3A_11 = tpu.memref_slice %arg2[%mul3A_2] : memref<524288xi32, #tpu.memory_space<hbm>> -> memref<16384xi32, #tpu.memory_space<hbm>>
      tpu.enqueue_dma source(%dma_start3A_11 : memref<16384xi32, #tpu.memory_space<hbm>>) target(%arg5 : memref<16384xi32, #tpu.memory_space<vmem>>) target_semaphore(%run_scoped3A : memref<!tpu.dma_semaphore, #tpu.memory_space<semaphore_mem>>)
      %dma_wait3A_12 = tpu.memref_slice %arg2[%mul3A_2] : memref<524288xi32, #tpu.memory_space<hbm>> -> memref<16384xi32, #tpu.memory_space<hbm>>
      %dma_wait3A_13 = tpu.memref_slice %arg2[%mul3A_2] : memref<524288xi32, #tpu.memory_space<hbm>> -> memref<16384xi32, #tpu.memory_space<hbm>>
      tpu.wait_dma2 semaphore(%run_scoped3A : memref<!tpu.dma_semaphore, #tpu.memory_space<semaphore_mem>>) src(%dma_wait3A_13 : memref<16384xi32, #tpu.memory_space<hbm>>) dst(%arg5 : memref<16384xi32, #tpu.memory_space<vmem>>)
      tpu.yield
    }) : () -> ()
    %scan3A = arith.constant 0 : i32
    %scan3A_3 = arith.constant 0 : i32
    %scan3A_4 = arith.constant 128 : i32
    %scan3A_5 = arith.addi %scan3A_3, %scan3A_4 : i32
    %scan3A_6 = arith.constant 1 : i32
    scf.for %scan3A_11 = %scan3A_3 to %scan3A_5 step %scan3A_6  : i32 {
      %mul3A_12 = arith.constant 128 : i32
      %mul3A_13 = arith.muli %scan3A_11, %mul3A_12 : i32
      %add3A_14 = arith.constant 0 : i32
      %add3A_15 = arith.addi %mul3A_13, %add3A_14 : i32
      %iota3A = tpu.iota {dimensions = array<i32: 0>} : vector<16xi32>
      %get3A = arith.index_cast %add3A_15 : i32 to index
      %get3A_16 = tpu.vector_load %arg5[%get3A] {strides = array<i32>} : memref<16384xi32, #tpu.memory_space<vmem>>, vector<16xi32>,
      %get3A_17 = vector.shape_cast %get3A_16 : vector<16xi32> to vector<16xi32>
      %sub3A = arith.constant 1 : i32
      %sub3A_18 = vector.broadcast %sub3A : i32 to vector<16xi32>
      %sub3A_19 = arith.subi %get3A_17, %sub3A_18 : vector<16xi32>
      %jit3A = arith.constant 0 : i32
      %jit3A_20 = arith.constant 79 : i32
      %max3A = vector.broadcast %jit3A : i32 to vector<16xi32>
      %max3A_21 = arith.maxsi %max3A, %sub3A_19 : vector<16xi32>
      %min3A = vector.broadcast %jit3A_20 : i32 to vector<16xi32>
      %min3A_22 = arith.minsi %min3A, %max3A_21 : vector<16xi32>
      %add3A_23 = arith.addi %mul3A_2, %add3A_15 : i32
      %add3A_24 = vector.broadcast %add3A_23 : i32 to vector<16xi32>
      %add3A_25 = arith.addi %add3A_24, %iota3A : vector<16xi32>
      %mul3A_26 = arith.constant 80 : i32
      %mul3A_27 = vector.broadcast %mul3A_26 : i32 to vector<16xi32>
      %mul3A_28 = arith.muli %add3A_25, %mul3A_27 : vector<16xi32>
      %add3A_29 = arith.addi %mul3A_28, %min3A_22 : vector<16xi32>
      %swap3A = arith.index_cast %add3A_15 : i32 to index
      %swap3A_30 = tpu.vector_load %arg6[%swap3A] {strides = array<i32>} : memref<16384xi32, #tpu.memory_space<vmem>>, vector<16xi32>,
      %swap3A_31 = vector.shape_cast %swap3A_30 : vector<16xi32> to vector<16xi32>
      %swap3A_32 = vector.shape_cast %add3A_29 : vector<16xi32> to vector<16xi32>
      tpu.vector_store %arg6[%swap3A], %swap3A_32 {strides = array<i32>} : memref<16384xi32, #tpu.memory_space<vmem>>, vector<16xi32>,
      %mul3A_33 = arith.constant 128 : i32
      %mul3A_34 = arith.muli %scan3A_11, %mul3A_33 : i32
      %add3A_35 = arith.constant 16 : i32
      %add3A_36 = arith.addi %mul3A_34, %add3A_35 : i32
      %iota3A_37 = tpu.iota {dimensions = array<i32: 0>} : vector<16xi32>
      %get3A_38 = arith.index_cast %add3A_36 : i32 to index
      %get3A_39 = tpu.vector_load %arg5[%get3A_38] {strides = array<i32>} : memref<16384xi32, #tpu.memory_space<vmem>>, vector<16xi32>,
      %get3A_40 = vector.shape_cast %get3A_39 : vector<16xi32> to vector<16xi32>
      %sub3A_41 = arith.constant 1 : i32
      %sub3A_42 = vector.broadcast %sub3A_41 : i32 to vector<16xi32>
      %sub3A_43 = arith.subi %get3A_40, %sub3A_42 : vector<16xi32>
      %jit3A_44 = arith.constant 0 : i32
      %jit3A_45 = arith.constant 79 : i32
      %max3A_46 = vector.broadcast %jit3A_44 : i32 to vector<16xi32>
      %max3A_47 = arith.maxsi %max3A_46, %sub3A_43 : vector<16xi32>
      %min3A_48 = vector.broadcast %jit3A_45 : i32 to vector<16xi32>
      %min3A_49 = arith.minsi %min3A_48, %max3A_47 : vector<16xi32>
      %add3A_50 = arith.addi %mul3A_2, %add3A_36 : i32
      %add3A_51 = vector.broadcast %add3A_50 : i32 to vector<16xi32>
      %add3A_52 = arith.addi %add3A_51, %iota3A_37 : vector<16xi32>
      %mul3A_53 = arith.constant 80 : i32
      %mul3A_54 = vector.broadcast %mul3A_53 : i32 to vector<16xi32>
      %mul3A_55 = arith.muli %add3A_52, %mul3A_54 : vector<16xi32>
      %add3A_56 = arith.addi %mul3A_55, %min3A_49 : vector<16xi32>
      %swap3A_57 = arith.index_cast %add3A_36 : i32 to index
      %swap3A_58 = tpu.vector_load %arg6[%swap3A_57] {strides = array<i32>} : memref<16384xi32, #tpu.memory_space<vmem>>, vector<16xi32>,
      %swap3A_59 = vector.shape_cast %swap3A_58 : vector<16xi32> to vector<16xi32>
      %swap3A_60 = vector.shape_cast %add3A_56 : vector<16xi32> to vector<16xi32>
      tpu.vector_store %arg6[%swap3A_57], %swap3A_60 {strides = array<i32>} : memref<16384xi32, #tpu.memory_space<vmem>>, vector<16xi32>,
      %mul3A_61 = arith.constant 128 : i32
      %mul3A_62 = arith.muli %scan3A_11, %mul3A_61 : i32
      %add3A_63 = arith.constant 32 : i32
      %add3A_64 = arith.addi %mul3A_62, %add3A_63 : i32
      %iota3A_65 = tpu.iota {dimensions = array<i32: 0>} : vector<16xi32>
      %get3A_66 = arith.index_cast %add3A_64 : i32 to index
      %get3A_67 = tpu.vector_load %arg5[%get3A_66] {strides = array<i32>} : memref<16384xi32, #tpu.memory_space<vmem>>, vector<16xi32>,
      %get3A_68 = vector.shape_cast %get3A_67 : vector<16xi32> to vector<16xi32>
      %sub3A_69 = arith.constant 1 : i32
      %sub3A_70 = vector.broadcast %sub3A_69 : i32 to vector<16xi32>
      %sub3A_71 = arith.subi %get3A_68, %sub3A_70 : vector<16xi32>
      %jit3A_72 = arith.constant 0 : i32
      %jit3A_73 = arith.constant 79 : i32
      %max3A_74 = vector.broadcast %jit3A_72 : i32 to vector<16xi32>
      %max3A_75 = arith.maxsi %max3A_74, %sub3A_71 : vector<16xi32>
      %min3A_76 = vector.broadcast %jit3A_73 : i32 to vector<16xi32>
      %min3A_77 = arith.minsi %min3A_76, %max3A_75 : vector<16xi32>
      %add3A_78 = arith.addi %mul3A_2, %add3A_64 : i32
      %add3A_79 = vector.broadcast %add3A_78 : i32 to vector<16xi32>
      %add3A_80 = arith.addi %add3A_79, %iota3A_65 : vector<16xi32>
      %mul3A_81 = arith.constant 80 : i32
      %mul3A_82 = vector.broadcast %mul3A_81 : i32 to vector<16xi32>
      %mul3A_83 = arith.muli %add3A_80, %mul3A_82 : vector<16xi32>
      %add3A_84 = arith.addi %mul3A_83, %min3A_77 : vector<16xi32>
      %swap3A_85 = arith.index_cast %add3A_64 : i32 to index
      %swap3A_86 = tpu.vector_load %arg6[%swap3A_85] {strides = array<i32>} : memref<16384xi32, #tpu.memory_space<vmem>>, vector<16xi32>,
      %swap3A_87 = vector.shape_cast %swap3A_86 : vector<16xi32> to vector<16xi32>
      %swap3A_88 = vector.shape_cast %add3A_84 : vector<16xi32> to vector<16xi32>
      tpu.vector_store %arg6[%swap3A_85], %swap3A_88 {strides = array<i32>} : memref<16384xi32, #tpu.memory_space<vmem>>, vector<16xi32>,
      %mul3A_89 = arith.constant 128 : i32
      %mul3A_90 = arith.muli %scan3A_11, %mul3A_89 : i32
      %add3A_91 = arith.constant 48 : i32
      %add3A_92 = arith.addi %mul3A_90, %add3A_91 : i32
      %iota3A_93 = tpu.iota {dimensions = array<i32: 0>} : vector<16xi32>
      %get3A_94 = arith.index_cast %add3A_92 : i32 to index
      %get3A_95 = tpu.vector_load %arg5[%get3A_94] {strides = array<i32>} : memref<16384xi32, #tpu.memory_space<vmem>>, vector<16xi32>,
      %get3A_96 = vector.shape_cast %get3A_95 : vector<16xi32> to vector<16xi32>
      %sub3A_97 = arith.constant 1 : i32
      %sub3A_98 = vector.broadcast %sub3A_97 : i32 to vector<16xi32>
      %sub3A_99 = arith.subi %get3A_96, %sub3A_98 : vector<16xi32>
      %jit3A_100 = arith.constant 0 : i32
      %jit3A_101 = arith.constant 79 : i32
      %max3A_102 = vector.broadcast %jit3A_100 : i32 to vector<16xi32>
      %max3A_103 = arith.maxsi %max3A_102, %sub3A_99 : vector<16xi32>
      %min3A_104 = vector.broadcast %jit3A_101 : i32 to vector<16xi32>
      %min3A_105 = arith.minsi %min3A_104, %max3A_103 : vector<16xi32>
      %add3A_106 = arith.addi %mul3A_2, %add3A_92 : i32
      %add3A_107 = vector.broadcast %add3A_106 : i32 to vector<16xi32>
      %add3A_108 = arith.addi %add3A_107, %iota3A_93 : vector<16xi32>
      %mul3A_109 = arith.constant 80 : i32
      %mul3A_110 = vector.broadcast %mul3A_109 : i32 to vector<16xi32>
      %mul3A_111 = arith.muli %add3A_108, %mul3A_110 : vector<16xi32>
      %add3A_112 = arith.addi %mul3A_111, %min3A_105 : vector<16xi32>
      %swap3A_113 = arith.index_cast %add3A_92 : i32 to index
      %swap3A_114 = tpu.vector_load %arg6[%swap3A_113] {strides = array<i32>} : memref<16384xi32, #tpu.memory_space<vmem>>, vector<16xi32>,
      %swap3A_115 = vector.shape_cast %swap3A_114 : vector<16xi32> to vector<16xi32>
      %swap3A_116 = vector.shape_cast %add3A_112 : vector<16xi32> to vector<16xi32>
      tpu.vector_store %arg6[%swap3A_113], %swap3A_116 {strides = array<i32>} : memref<16384xi32, #tpu.memory_space<vmem>>, vector<16xi32>,
      %mul3A_117 = arith.constant 128 : i32
      %mul3A_118 = arith.muli %scan3A_11, %mul3A_117 : i32
      %add3A_119 = arith.constant 64 : i32
      %add3A_120 = arith.addi %mul3A_118, %add3A_119 : i32
      %iota3A_121 = tpu.iota {dimensions = array<i32: 0>} : vector<16xi32>
      %get3A_122 = arith.index_cast %add3A_120 : i32 to index
      %get3A_123 = tpu.vector_load %arg5[%get3A_122] {strides = array<i32>} : memref<16384xi32, #tpu.memory_space<vmem>>, vector<16xi32>,
      %get3A_124 = vector.shape_cast %get3A_123 : vector<16xi32> to vector<16xi32>
      %sub3A_125 = arith.constant 1 : i32
      %sub3A_126 = vector.broadcast %sub3A_125 : i32 to vector<16xi32>
      %sub3A_127 = arith.subi %get3A_124, %sub3A_126 : vector<16xi32>
      %jit3A_128 = arith.constant 0 : i32
      %jit3A_129 = arith.constant 79 : i32
      %max3A_130 = vector.broadcast %jit3A_128 : i32 to vector<16xi32>
      %max3A_131 = arith.maxsi %max3A_130, %sub3A_127 : vector<16xi32>
      %min3A_132 = vector.broadcast %jit3A_129 : i32 to vector<16xi32>
      %min3A_133 = arith.minsi %min3A_132, %max3A_131 : vector<16xi32>
      %add3A_134 = arith.addi %mul3A_2, %add3A_120 : i32
      %add3A_135 = vector.broadcast %add3A_134 : i32 to vector<16xi32>
      %add3A_136 = arith.addi %add3A_135, %iota3A_121 : vector<16xi32>
      %mul3A_137 = arith.constant 80 : i32
      %mul3A_138 = vector.broadcast %mul3A_137 : i32 to vector<16xi32>
      %mul3A_139 = arith.muli %add3A_136, %mul3A_138 : vector<16xi32>
      %add3A_140 = arith.addi %mul3A_139, %min3A_133 : vector<16xi32>
      %swap3A_141 = arith.index_cast %add3A_120 : i32 to index
      %swap3A_142 = tpu.vector_load %arg6[%swap3A_141] {strides = array<i32>} : memref<16384xi32, #tpu.memory_space<vmem>>, vector<16xi32>,
      %swap3A_143 = vector.shape_cast %swap3A_142 : vector<16xi32> to vector<16xi32>
      %swap3A_144 = vector.shape_cast %add3A_140 : vector<16xi32> to vector<16xi32>
      tpu.vector_store %arg6[%swap3A_141], %swap3A_144 {strides = array<i32>} : memref<16384xi32, #tpu.memory_space<vmem>>, vector<16xi32>,
      %mul3A_145 = arith.constant 128 : i32
      %mul3A_146 = arith.muli %scan3A_11, %mul3A_145 : i32
      %add3A_147 = arith.constant 80 : i32
      %add3A_148 = arith.addi %mul3A_146, %add3A_147 : i32
      %iota3A_149 = tpu.iota {dimensions = array<i32: 0>} : vector<16xi32>
      %get3A_150 = arith.index_cast %add3A_148 : i32 to index
      %get3A_151 = tpu.vector_load %arg5[%get3A_150] {strides = array<i32>} : memref<16384xi32, #tpu.memory_space<vmem>>, vector<16xi32>,
      %get3A_152 = vector.shape_cast %get3A_151 : vector<16xi32> to vector<16xi32>
      %sub3A_153 = arith.constant 1 : i32
      %sub3A_154 = vector.broadcast %sub3A_153 : i32 to vector<16xi32>
      %sub3A_155 = arith.subi %get3A_152, %sub3A_154 : vector<16xi32>
      %jit3A_156 = arith.constant 0 : i32
      %jit3A_157 = arith.constant 79 : i32
      %max3A_158 = vector.broadcast %jit3A_156 : i32 to vector<16xi32>
      %max3A_159 = arith.maxsi %max3A_158, %sub3A_155 : vector<16xi32>
      %min3A_160 = vector.broadcast %jit3A_157 : i32 to vector<16xi32>
      %min3A_161 = arith.minsi %min3A_160, %max3A_159 : vector<16xi32>
      %add3A_162 = arith.addi %mul3A_2, %add3A_148 : i32
      %add3A_163 = vector.broadcast %add3A_162 : i32 to vector<16xi32>
      %add3A_164 = arith.addi %add3A_163, %iota3A_149 : vector<16xi32>
      %mul3A_165 = arith.constant 80 : i32
      %mul3A_166 = vector.broadcast %mul3A_165 : i32 to vector<16xi32>
      %mul3A_167 = arith.muli %add3A_164, %mul3A_166 : vector<16xi32>
      %add3A_168 = arith.addi %mul3A_167, %min3A_161 : vector<16xi32>
      %swap3A_169 = arith.index_cast %add3A_148 : i32 to index
      %swap3A_170 = tpu.vector_load %arg6[%swap3A_169] {strides = array<i32>} : memref<16384xi32, #tpu.memory_space<vmem>>, vector<16xi32>,
      %swap3A_171 = vector.shape_cast %swap3A_170 : vector<16xi32> to vector<16xi32>
      %swap3A_172 = vector.shape_cast %add3A_168 : vector<16xi32> to vector<16xi32>
      tpu.vector_store %arg6[%swap3A_169], %swap3A_172 {strides = array<i32>} : memref<16384xi32, #tpu.memory_space<vmem>>, vector<16xi32>,
      %mul3A_173 = arith.constant 128 : i32
      %mul3A_174 = arith.muli %scan3A_11, %mul3A_173 : i32
      %add3A_175 = arith.constant 96 : i32
      %add3A_176 = arith.addi %mul3A_174, %add3A_175 : i32
      %iota3A_177 = tpu.iota {dimensions = array<i32: 0>} : vector<16xi32>
      %get3A_178 = arith.index_cast %add3A_176 : i32 to index
      %get3A_179 = tpu.vector_load %arg5[%get3A_178] {strides = array<i32>} : memref<16384xi32, #tpu.memory_space<vmem>>, vector<16xi32>,
      %get3A_180 = vector.shape_cast %get3A_179 : vector<16xi32> to vector<16xi32>
      %sub3A_181 = arith.constant 1 : i32
      %sub3A_182 = vector.broadcast %sub3A_181 : i32 to vector<16xi32>
      %sub3A_183 = arith.subi %get3A_180, %sub3A_182 : vector<16xi32>
      %jit3A_184 = arith.constant 0 : i32
      %jit3A_185 = arith.constant 79 : i32
      %max3A_186 = vector.broadcast %jit3A_184 : i32 to vector<16xi32>
      %max3A_187 = arith.maxsi %max3A_186, %sub3A_183 : vector<16xi32>
      %min3A_188 = vector.broadcast %jit3A_185 : i32 to vector<16xi32>
      %min3A_189 = arith.minsi %min3A_188, %max3A_187 : vector<16xi32>
      %add3A_190 = arith.addi %mul3A_2, %add3A_176 : i32
      %add3A_191 = vector.broadcast %add3A_190 : i32 to vector<16xi32>
      %add3A_192 = arith.addi %add3A_191, %iota3A_177 : vector<16xi32>
      %mul3A_193 = arith.constant 80 : i32
      %mul3A_194 = vector.broadcast %mul3A_193 : i32 to vector<16xi32>
      %mul3A_195 = arith.muli %add3A_192, %mul3A_194 : vector<16xi32>
      %add3A_196 = arith.addi %mul3A_195, %min3A_189 : vector<16xi32>
      %swap3A_197 = arith.index_cast %add3A_176 : i32 to index
      %swap3A_198 = tpu.vector_load %arg6[%swap3A_197] {strides = array<i32>} : memref<16384xi32, #tpu.memory_space<vmem>>, vector<16xi32>,
      %swap3A_199 = vector.shape_cast %swap3A_198 : vector<16xi32> to vector<16xi32>
      %swap3A_200 = vector.shape_cast %add3A_196 : vector<16xi32> to vector<16xi32>
      tpu.vector_store %arg6[%swap3A_197], %swap3A_200 {strides = array<i32>} : memref<16384xi32, #tpu.memory_space<vmem>>, vector<16xi32>,
      %mul3A_201 = arith.constant 128 : i32
      %mul3A_202 = arith.muli %scan3A_11, %mul3A_201 : i32
      %add3A_203 = arith.constant 112 : i32
      %add3A_204 = arith.addi %mul3A_202, %add3A_203 : i32
      %iota3A_205 = tpu.iota {dimensions = array<i32: 0>} : vector<16xi32>
      %get3A_206 = arith.index_cast %add3A_204 : i32 to index
      %get3A_207 = tpu.vector_load %arg5[%get3A_206] {strides = array<i32>} : memref<16384xi32, #tpu.memory_space<vmem>>, vector<16xi32>,
      %get3A_208 = vector.shape_cast %get3A_207 : vector<16xi32> to vector<16xi32>
      %sub3A_209 = arith.constant 1 : i32
      %sub3A_210 = vector.broadcast %sub3A_209 : i32 to vector<16xi32>
      %sub3A_211 = arith.subi %get3A_208, %sub3A_210 : vector<16xi32>
      %jit3A_212 = arith.constant 0 : i32
      %jit3A_213 = arith.constant 79 : i32
      %max3A_214 = vector.broadcast %jit3A_212 : i32 to vector<16xi32>
      %max3A_215 = arith.maxsi %max3A_214, %sub3A_211 : vector<16xi32>
      %min3A_216 = vector.broadcast %jit3A_213 : i32 to vector<16xi32>
      %min3A_217 = arith.minsi %min3A_216, %max3A_215 : vector<16xi32>
      %add3A_218 = arith.addi %mul3A_2, %add3A_204 : i32
      %add3A_219 = vector.broadcast %add3A_218 : i32 to vector<16xi32>
      %add3A_220 = arith.addi %add3A_219, %iota3A_205 : vector<16xi32>
      %mul3A_221 = arith.constant 80 : i32
      %mul3A_222 = vector.broadcast %mul3A_221 : i32 to vector<16xi32>
      %mul3A_223 = arith.muli %add3A_220, %mul3A_222 : vector<16xi32>
      %add3A_224 = arith.addi %mul3A_223, %min3A_217 : vector<16xi32>
      %swap3A_225 = arith.index_cast %add3A_204 : i32 to index
      %swap3A_226 = tpu.vector_load %arg6[%swap3A_225] {strides = array<i32>} : memref<16384xi32, #tpu.memory_space<vmem>>, vector<16xi32>,
      %swap3A_227 = vector.shape_cast %swap3A_226 : vector<16xi32> to vector<16xi32>
      %swap3A_228 = vector.shape_cast %add3A_224 : vector<16xi32> to vector<16xi32>
      tpu.vector_store %arg6[%swap3A_225], %swap3A_228 {strides = array<i32>} : memref<16384xi32, #tpu.memory_space<vmem>>, vector<16xi32>,
      %mul3A_229 = arith.constant 128 : i32
      %mul3A_230 = arith.muli %scan3A_11, %mul3A_229 : i32
      %mul3A_231 = arith.constant 128 : i32
      %mul3A_232 = arith.muli %scan3A_11, %mul3A_231 : i32
      %dma_start3A = tpu.memref_slice %arg7[%mul3A_232] : memref<16384xf32, #tpu.memory_space<vmem>> -> memref<128xf32, #tpu.memory_space<vmem>>
      %dma_start3A_233 = tpu.memref_slice %arg6[%mul3A_230] : memref<16384xi32, #tpu.memory_space<vmem>> -> memref<128xi32, #tpu.memory_space<vmem>>
      %dma_start3A_234 = arith.constant 0 : i32
      %dma_start3A_235 = tpu.memref_slice %arg3[%dma_start3A_234] : memref<41943040xf32, #tpu.memory_space<hbm>> -> memref<41943040xf32, #tpu.memory_space<hbm>>
      tpu.enqueue_indirect_dma source(%dma_start3A_235 : memref<41943040xf32, #tpu.memory_space<hbm>>) target(%dma_start3A : memref<128xf32, #tpu.memory_space<vmem>>) offsets(%dma_start3A_233 : memref<128xi32, #tpu.memory_space<vmem>>) semaphore(%arg8 : memref<!tpu.dma_semaphore, #tpu.memory_space<semaphore_mem>>)
    }
    %scan3A_7 = arith.constant 128 : i32
    %dma_wait3A = arith.constant 0 : i32
    %dma_wait3A_8 = tpu.memref_slice %arg3[%dma_wait3A] : memref<41943040xf32, #tpu.memory_space<hbm>> -> memref<16384xf32, #tpu.memory_space<hbm>>
    %dma_wait3A_9 = arith.constant 0 : i32
    %dma_wait3A_10 = tpu.memref_slice %arg3[%dma_wait3A_9] : memref<41943040xf32, #tpu.memory_space<hbm>> -> memref<16384xf32, #tpu.memory_space<hbm>>
    tpu.wait_dma2 semaphore(%arg8 : memref<!tpu.dma_semaphore, #tpu.memory_space<semaphore_mem>>) src(%dma_wait3A_10 : memref<16384xf32, #tpu.memory_space<hbm>>) dst(%arg7 : memref<16384xf32, #tpu.memory_space<vmem>>)
    "tpu.region"() ({
      %run_scoped3A = tpu.sem_alloc : memref<!tpu.dma_semaphore, #tpu.memory_space<semaphore_mem>>
      %dma_start3A = tpu.memref_slice %arg4[%mul3A_2] : memref<524288xf32, #tpu.memory_space<hbm>> -> memref<16384xf32, #tpu.memory_space<hbm>>
      %dma_start3A_11 = tpu.memref_slice %arg4[%mul3A_2] : memref<524288xf32, #tpu.memory_space<hbm>> -> memref<16384xf32, #tpu.memory_space<hbm>>
      tpu.enqueue_dma source(%arg7 : memref<16384xf32, #tpu.memory_space<vmem>>) target(%dma_start3A_11 : memref<16384xf32, #tpu.memory_space<hbm>>) target_semaphore(%run_scoped3A : memref<!tpu.dma_semaphore, #tpu.memory_space<semaphore_mem>>)
      %dma_wait3A_12 = tpu.memref_slice %arg4[%mul3A_2] : memref<524288xf32, #tpu.memory_space<hbm>> -> memref<16384xf32, #tpu.memory_space<hbm>>
      %dma_wait3A_13 = tpu.memref_slice %arg4[%mul3A_2] : memref<524288xf32, #tpu.memory_space<hbm>> -> memref<16384xf32, #tpu.memory_space<hbm>>
      tpu.wait_dma2 semaphore(%run_scoped3A : memref<!tpu.dma_semaphore, #tpu.memory_space<semaphore_mem>>) src(%arg7 : memref<16384xf32, #tpu.memory_space<vmem>>) dst(%dma_wait3A_13 : memref<16384xf32, #tpu.memory_space<hbm>>)
      tpu.yield
    }) : () -> ()
    return
  }
}

module attributes {stable_mosaic.version = 14 : i64} {
  func.func @_dense_body(%arg0: i32, %arg1: memref<4096x80xf32, #tpu.memory_space<vmem>>, %arg2: memref<1x1xf32, #tpu.memory_space<vmem>>) attributes {dimension_semantics = [#tpu.dimension_semantics<arbitrary>], iteration_bounds = array<i64: 128>, scalar_prefetch = 0 : i64, scratch_operands = 0 : i64, tpu.core_type = #tpu.core_type<tc>, window_params = [{transform_indices = @transform_0, window_bounds = array<i64: 4096, 80>}, {pipeline_mode = #tpu.pipeline_mode<synchronous>, transform_indices = @transform_1, window_bounds = array<i64: 1, 1>}]} {
    %get3A = arith.constant 0 : index
    %get3A_0 = arith.constant 0 : index
    %get3A_1 = vector.load %arg1[%get3A, %get3A_0] : memref<4096x80xf32, #tpu.memory_space<vmem>>, vector<4096x80xf32>
    %mul3A = arith.constant 5.000000e-01 : f32
    %mul3A_2 = vector.broadcast %mul3A : f32 to vector<4096x80xf32>
    %mul3A_3 = arith.mulf %mul3A_2, %get3A_1 : vector<4096x80xf32>
    %tanh3A = math.tanh %mul3A_3 : vector<4096x80xf32>
    %mul3A_4 = arith.constant 5.000000e-01 : f32
    %mul3A_5 = vector.broadcast %mul3A_4 : f32 to vector<4096x80xf32>
    %mul3A_6 = arith.mulf %mul3A_5, %tanh3A : vector<4096x80xf32>
    %sub3A = arith.constant 5.000000e-01 : f32
    %sub3A_7 = vector.broadcast %sub3A : f32 to vector<4096x80xf32>
    %sub3A_8 = arith.subf %sub3A_7, %mul3A_6 : vector<4096x80xf32>
    %max3A = arith.constant 9.99999991E-38 : f32
    %max3A_9 = vector.broadcast %max3A : f32 to vector<4096x80xf32>
    %max3A_10 = arith.maximumf %sub3A_8, %max3A_9 : vector<4096x80xf32>
    %log3A = math.log %max3A_10 : vector<4096x80xf32>
    %sub3A_11 = arith.subf %log3A, %max3A_10 : vector<4096x80xf32>
    %reduce_sum3A = vector.shape_cast %sub3A_11 : vector<4096x80xf32> to vector<1x4096x80xf32>
    %reduce_sum3A_12 = arith.constant dense<0.000000e+00> : vector<1xf32>
    %reduce_sum3A_13 = vector.multi_reduction <add>, %reduce_sum3A, %reduce_sum3A_12 [1, 2] : vector<1x4096x80xf32> to vector<1xf32>
    %reduce_sum3A_14 = vector.shape_cast %reduce_sum3A_13 : vector<1xf32> to vector<1x1x1xf32>
    %reduce_sum3A_15 = vector.extract %reduce_sum3A_14[0, 0, 0] : f32 from vector<1x1x1xf32>
    %eq3A = arith.constant 0 : i32
    %eq3A_16 = arith.cmpi eq, %arg0, %eq3A : i32
    %convert_element_type3A = arith.extui %eq3A_16 : i1 to i32
    %cond3A = arith.constant 0 : i32
    %cond3A_17 = arith.cmpi ne, %convert_element_type3A, %cond3A : i32
    scf.if %cond3A_17 {
      %broadcast_in_dim3A = arith.constant 0.000000e+00 : f32
      %broadcast_in_dim3A_23 = vector.broadcast %broadcast_in_dim3A : f32 to vector<1x1xf32>
      %swap3A_24 = arith.constant 0 : index
      %swap3A_25 = arith.constant 0 : index
      %swap3A_26 = vector.load %arg2[%swap3A_24, %swap3A_25] : memref<1x1xf32, #tpu.memory_space<vmem>>, vector<1x1xf32>
      tpu.vector_store %arg2[%swap3A_24, %swap3A_25], %broadcast_in_dim3A_23 {strides = array<i32>} : memref<1x1xf32, #tpu.memory_space<vmem>>, vector<1x1xf32>,
    } else {
    }
    %get3A_18 = arith.constant 0 : index
    %get3A_19 = arith.constant 0 : index
    %get3A_20 = vector.load %arg2[%get3A_18, %get3A_19] : memref<1x1xf32, #tpu.memory_space<vmem>>, vector<1x1xf32>
    %reshape3A = vector.broadcast %reduce_sum3A_15 : f32 to vector<1x1xf32>
    %add3A = arith.addf %get3A_20, %reshape3A : vector<1x1xf32>
    %swap3A = arith.constant 0 : index
    %swap3A_21 = arith.constant 0 : index
    %swap3A_22 = vector.load %arg2[%swap3A, %swap3A_21] : memref<1x1xf32, #tpu.memory_space<vmem>>, vector<1x1xf32>
    tpu.vector_store %arg2[%swap3A, %swap3A_21], %add3A {strides = array<i32>} : memref<1x1xf32, #tpu.memory_space<vmem>>, vector<1x1xf32>,
    return
  }
  func.func @transform_0(%arg0: i32) -> (i32, i32) {
    %c0_i32 = arith.constant 0 : i32
    %c0_i32_0 = arith.constant 0 : i32
    return %arg0, %c0_i32 : i32, i32
  }
  func.func @transform_1(%arg0: i32) -> (i32, i32) {
    %c0_i32 = arith.constant 0 : i32
    %c0_i32_0 = arith.constant 0 : i32
    %c0_i32_1 = arith.constant 0 : i32
    return %c0_i32, %c0_i32_0 : i32, i32
  }
}

module attributes {stable_mosaic.version = 14 : i64} {
  func.func @_corr_body(%arg0: memref<1x1xf32, #tpu.memory_space<vmem>>, %arg1: memref<4096x128xf32, #tpu.memory_space<vmem>>, %arg2: memref<4096x128xi32, #tpu.memory_space<vmem>>, %arg3: memref<4096x128xi32, #tpu.memory_space<vmem>>, %arg4: memref<1x1xf32, #tpu.memory_space<vmem>>) attributes {dimension_semantics = [], scalar_prefetch = 0 : i64, scratch_operands = 0 : i64, tpu.core_type = #tpu.core_type<tc>} {
    %get3A = arith.constant 0 : index
    %get3A_0 = arith.constant 0 : index
    %get3A_1 = vector.load %arg2[%get3A, %get3A_0] : memref<4096x128xi32, #tpu.memory_space<vmem>>, vector<4096x128xi32>
    %ge3A = arith.constant 1 : i32
    %ge3A_2 = vector.broadcast %ge3A : i32 to vector<4096x128xi32>
    %ge3A_3 = arith.cmpi sge, %get3A_1, %ge3A_2 : vector<4096x128xi32>
    %get3A_4 = arith.constant 0 : index
    %get3A_5 = arith.constant 0 : index
    %get3A_6 = vector.load %arg3[%get3A_4, %get3A_5] : memref<4096x128xi32, #tpu.memory_space<vmem>>, vector<4096x128xi32>
    %jit3A = arith.constant 0 : i32
    %broadcast_in_dim3A = vector.broadcast %jit3A : i32 to vector<4096x128xi32>
    %select_n3A = arith.select %ge3A_3, %get3A_6, %broadcast_in_dim3A : vector<4096x128xi1>, vector<4096x128xi32>
    %reduce_max3A = vector.shape_cast %select_n3A : vector<4096x128xi32> to vector<1x4096x128xi32>
    %reduce_max3A_7 = arith.constant dense<-2147483648> : vector<1xi32>
    %reduce_max3A_8 = vector.multi_reduction <maxsi>, %reduce_max3A, %reduce_max3A_7 [1, 2] : vector<1x4096x128xi32> to vector<1xi32>
    %reduce_max3A_9 = vector.shape_cast %reduce_max3A_8 : vector<1xi32> to vector<1x1x1xi32>
    %reduce_max3A_10 = vector.extract %reduce_max3A_9[0, 0, 0] : i32 from vector<1x1x1xi32>
    %convert_element_type3A = arith.sitofp %reduce_max3A_10 : i32 to f32
    %get3A_11 = arith.constant 0 : index
    %get3A_12 = arith.constant 0 : index
    %get3A_13 = vector.load %arg3[%get3A_11, %get3A_12] : memref<4096x128xi32, #tpu.memory_space<vmem>>, vector<4096x128xi32>
    %convert_element_type3A_14 = arith.sitofp %get3A_13 : vector<4096x128xi32> to vector<4096x128xf32>
    %div3A = arith.constant 1.000000e+00 : f32
    %div3A_15 = arith.divf %div3A, %convert_element_type3A : f32
    %mul3A = vector.broadcast %div3A_15 : f32 to vector<4096x128xf32>
    %mul3A_16 = arith.mulf %convert_element_type3A_14, %mul3A : vector<4096x128xf32>
    %jit3A_17 = arith.constant 0.000000e+00 : f32
    %broadcast_in_dim3A_18 = vector.broadcast %jit3A_17 : f32 to vector<4096x128xf32>
    %select_n3A_19 = arith.select %ge3A_3, %mul3A_16, %broadcast_in_dim3A_18 : vector<4096x128xi1>, vector<4096x128xf32>
    %get3A_20 = arith.constant 0 : index
    %get3A_21 = arith.constant 0 : index
    %get3A_22 = vector.load %arg1[%get3A_20, %get3A_21] : memref<4096x128xf32, #tpu.memory_space<vmem>>, vector<4096x128xf32>
    %mul3A_23 = arith.constant 5.000000e-01 : f32
    %mul3A_24 = vector.broadcast %mul3A_23 : f32 to vector<4096x128xf32>
    %mul3A_25 = arith.mulf %mul3A_24, %get3A_22 : vector<4096x128xf32>
    %tanh3A = math.tanh %mul3A_25 : vector<4096x128xf32>
    %mul3A_26 = arith.constant 5.000000e-01 : f32
    %mul3A_27 = vector.broadcast %mul3A_26 : f32 to vector<4096x128xf32>
    %mul3A_28 = arith.mulf %mul3A_27, %tanh3A : vector<4096x128xf32>
    %sub3A = arith.constant 5.000000e-01 : f32
    %sub3A_29 = vector.broadcast %sub3A : f32 to vector<4096x128xf32>
    %sub3A_30 = arith.subf %sub3A_29, %mul3A_28 : vector<4096x128xf32>
    %max3A = arith.constant 9.99999991E-38 : f32
    %max3A_31 = vector.broadcast %max3A : f32 to vector<4096x128xf32>
    %max3A_32 = arith.maximumf %sub3A_30, %max3A_31 : vector<4096x128xf32>
    %sub3A_33 = arith.constant 1.000000e+00 : f32
    %sub3A_34 = vector.broadcast %sub3A_33 : f32 to vector<4096x128xf32>
    %sub3A_35 = arith.subf %sub3A_34, %max3A_32 : vector<4096x128xf32>
    %log3A = math.log %max3A_32 : vector<4096x128xf32>
    %neg3A = arith.constant 0.000000e+00 : f32
    %neg3A_36 = vector.broadcast %neg3A : f32 to vector<4096x128xf32>
    %neg3A_37 = arith.subf %neg3A_36, %log3A : vector<4096x128xf32>
    %mul3A_38 = arith.constant 7.500000e-01 : f32
    %mul3A_39 = vector.broadcast %mul3A_38 : f32 to vector<4096x128xf32>
    %mul3A_40 = arith.mulf %mul3A_39, %select_n3A_19 : vector<4096x128xf32>
    %sub3A_41 = arith.constant 1.000000e+00 : f32
    %sub3A_42 = vector.broadcast %sub3A_41 : f32 to vector<4096x128xf32>
    %sub3A_43 = arith.subf %sub3A_42, %neg3A_37 : vector<4096x128xf32>
    %mul3A_44 = arith.mulf %mul3A_40, %sub3A_43 : vector<4096x128xf32>
    %mul3A_45 = arith.constant 2.500000e-01 : f32
    %mul3A_46 = vector.broadcast %mul3A_45 : f32 to vector<4096x128xf32>
    %mul3A_47 = arith.mulf %mul3A_46, %select_n3A_19 : vector<4096x128xf32>
    %sub3A_48 = arith.subf %neg3A_37, %get3A_22 : vector<4096x128xf32>
    %sub3A_49 = arith.constant 1.000000e+00 : f32
    %sub3A_50 = vector.broadcast %sub3A_49 : f32 to vector<4096x128xf32>
    %sub3A_51 = arith.subf %sub3A_48, %sub3A_50 : vector<4096x128xf32>
    %mul3A_52 = arith.mulf %mul3A_47, %sub3A_51 : vector<4096x128xf32>
    %add3A = arith.addf %mul3A_52, %sub3A_35 : vector<4096x128xf32>
    %mul3A_53 = arith.constant 7.500000e-01 : f32
    %mul3A_54 = vector.broadcast %mul3A_53 : f32 to vector<4096x128xf32>
    %mul3A_55 = arith.mulf %mul3A_54, %neg3A_37 : vector<4096x128xf32>
    %sub3A_56 = arith.subf %add3A, %mul3A_55 : vector<4096x128xf32>
    %le3A = arith.cmpf ole, %sub3A_35, %select_n3A_19 : vector<4096x128xf32>
    %select_n3A_57 = arith.select %le3A, %sub3A_56, %mul3A_44 : vector<4096x128xi1>, vector<4096x128xf32>
    %get3A_58 = arith.constant 0 : index
    %get3A_59 = arith.constant 0 : index
    %get3A_60 = vector.load %arg0[%get3A_58, %get3A_59] : memref<1x1xf32, #tpu.memory_space<vmem>>, vector<1x1xf32>
    %add3A_61 = arith.constant 0x4C200000 : f32
    %add3A_62 = vector.broadcast %add3A_61 : f32 to vector<1x1xf32>
    %add3A_63 = arith.addf %get3A_60, %add3A_62 : vector<1x1xf32>
    %mul3A_64 = arith.constant -7.500000e-01 : f32
    %mul3A_65 = vector.broadcast %mul3A_64 : f32 to vector<1x1xf32>
    %mul3A_66 = arith.mulf %mul3A_65, %add3A_63 : vector<1x1xf32>
    %reduce_sum3A = vector.shape_cast %select_n3A_57 : vector<4096x128xf32> to vector<1x4096x128xf32>
    %reduce_sum3A_67 = arith.constant dense<0.000000e+00> : vector<1xf32>
    %reduce_sum3A_68 = vector.multi_reduction <add>, %reduce_sum3A, %reduce_sum3A_67 [1, 2] : vector<1x4096x128xf32> to vector<1xf32>
    %reduce_sum3A_69 = vector.shape_cast %reduce_sum3A_68 : vector<1xf32> to vector<1x1x1xf32>
    %reduce_sum3A_70 = vector.extract %reduce_sum3A_69[0, 0, 0] : f32 from vector<1x1x1xf32>
    %reshape3A = vector.broadcast %reduce_sum3A_70 : f32 to vector<1x1xf32>
    %add3A_71 = arith.addf %mul3A_66, %reshape3A : vector<1x1xf32>
    %swap3A = arith.constant 0 : index
    %swap3A_72 = arith.constant 0 : index
    %swap3A_73 = vector.load %arg4[%swap3A, %swap3A_72] : memref<1x1xf32, #tpu.memory_space<vmem>>, vector<1x1xf32>
    tpu.vector_store %arg4[%swap3A, %swap3A_72], %add3A_71 {strides = array<i32>} : memref<1x1xf32, #tpu.memory_space<vmem>>, vector<1x1xf32>,
    return
  }
}

</mosaic_0001>

<sc_bundles>
// kernel: kernel.5.cloned.1.call-start
scs
__scs_entry_jumppad:
0x0: {  	(pc) =	sbr.rel $0x88, $3  }
0x1: {  	(tag) =	ssettag $0x0;
	lr =	simm.s32 $0x1  }
0x2: {  	[smem:$0x3F9F] =	sst lr;
	_ =	strace $0xD0000000  }
0x3: {  	_ = 	snop  }
0x4: {  	_ = 	snop  }
0x5: {  	_ = 	snop  }
0x6: {  	_ = 	snop  }
0x7: {  	_ = 	snop  }
__scs_overlays_trampoline_lowered:
0x8: {  	[smem:$0x3FAE] =	sst s0  }
0x9: {  	[smem:$0x3FAF] =	sst s1  }
0xa: {  	[smem:$0x3FB0] =	sst s2  }
0xb: {  	[smem:$0x3FB1] =	sst s3  }
0xc: {  	[smem:$0x3FB2] =	sst s4  }
0xd: {  	[smem:$0x3FB3] =	sst s5  }
0xe: {  	[smem:$0x3FB4] =	sst s6  }
0xf: {  	[smem:$0x3FB5] =	sst s7  }
0x10: {  	[smem:$0x3FB6] =	sst s8  }
0x11: {  	[smem:$0x3FB7] =	sst s9;
	s0 =	simm.s32 @!p0 $0x0  }
0x12: {  	s1 =	sld [smem:$0x3F9D];
	s0 =	simm.s32 @p0 $0x1  }
0x13: {  	[smem:$0x3FB8] =	sst s0;
	s0 =	simm.s32 @!p1 $0x0  }
0x14: {  	s2 =	sld [smem:$0x3F9C];
	s0 =	simm.s32 @p1 $0x1  }
0x15: {  	[smem:$0x3FB9] =	sst s0;
	s0 =	simm.s32 @!p2 $0x0  }
0x16: {  	s3 =	sld [smem:$0x3FDB];
	s0 =	simm.s32 @p2 $0x1  }
0x17: {  	s4 =	simm.s32 $0x1BF5;
	[smem:$0x3FBB] =	sst s0  }
0x18: {  	s0 =	sld [smem:$0x3F9E];
	_ =	swait.ge [sflag:s4], $0x0  }
0x19: {  	s7 =	sld [smem:$0x3F9F]  }
0x1a: {  	s8 =	sadd.s32 $0xFFFFE003, lr  }
0x1b: {  	s9 =	sadd.s32 $0xFFFFFEF7, lr;
	s5 =	simm.s32 $0xFFFFFFFF;
	p2 =	slt.u32 s8, $0xFFFFF086  }
0x1c: {  	p1 =	slt.u32 s9, $0xF7A;
	s5 =	simm.s32 @!p2 $0x0  }
0x1d: {  	s5 =	simm.s32 @p1 $0x1;
	p0 =	seq.s32 s7, s2  }
0x1e: {  	s7 =	smul.u32 @!p0 $0xF7A, s2;
	p2 =	seq.s32 @!p0 s5, $0x0  }
0x1f: {  	s9 =	smul.u32 $0xF7A, s1;
	s8 =	simm.s32 @!p0 $0x1BF5;
	p2 =	por !p2, p0  }
0x20: {  	[sflag:s8] =	ssyncset.s32 @!p0 $0xFFFFF086;
	s6 =	sadd.s32 @!p0 s3, s7;
	s7 =	simm.s32 @!p0 $0x108  }
0x21: {  	s3 =	sadd.s32 s3, s9;
	s6 =	sadd.s32 @!p0 $0x88, s6;
	s7 =	simm.s32 @p2 $0x1082  }
0x22: {  	[simem:s7], [sflag:s8] =	dma.local @!p0 [hbm:s6], $0xF7A  }
0x23: {  	s9 =	sor.u32 $0xD0000000, s2;
	s6 =	simm.s32 $0x108;
	_ =	swait.ge @!p0 [sflag:s8], $0x0  }
0x24: {  	s3 =	sadd.s32 $0x88, s3;
	s6 =	simm.s32 @!p1 $0x1082;
	[sflag:s4] =	ssyncset.s32 $0xFFFFF086  }
0x25: {  	[simem:s6], [sflag:s4] =	dma.local [hbm:s3], $0xF7A  }
0x26: {  	[smem:$0x3F9F] =	sst s1;
	(tag) =	ssettag s2;
	_ =	strace s9  }
0x27: {  	s1 =	sld [smem:$0x3FAF]  }
0x28: {  	s2 =	sld [smem:$0x3FB0]  }
0x29: {  	s4 =	sld [smem:$0x3FB2]  }
0x2a: {  	p0 =	seq.s32 s5, $0x0;
	s5 =	sld [smem:$0x3FB3]  }
0x2b: {  	s6 =	sld [smem:$0x3FB4]  }
0x2c: {  	s7 =	sld [smem:$0x3FB5]  }
0x2d: {  	s3 =	simm.s32 $0x108;
	s8 =	sld [smem:$0x3FB6]  }
0x2e: {  	s3 =	simm.s32 @!p0 $0x1082;
	s9 =	sld [smem:$0x3FB7]  }
0x2f: {  	lr =	sadd.s32 s0, s3;
	s0 =	sld [smem:$0x3FAE]  }
0x30: {  	s3 =	sld [smem:$0x3FB1]  }
0x31: {  	[smem:$0x3FBA] =	sst s10  }
0x32: {  	s10 =	sld [smem:$0x3FB8];
	_ =	sdelay $0x3  }
0x33: {  	p0 =	seq.s32 s10, $0x1;
	s10 =	sld [smem:$0x3FBA];
	_ =	sdelay $0x3  }
0x34: {  	[smem:$0x3FBA] =	sst s10  }
0x35: {  	s10 =	sld [smem:$0x3FB9];
	_ =	sdelay $0x3  }
0x36: {  	p1 =	seq.s32 s10, $0x1;
	s10 =	sld [smem:$0x3FBA];
	_ =	sdelay $0x3  }
0x37: {  	[smem:$0x3FBA] =	sst s10  }
0x38: {  	s10 =	sld [smem:$0x3FBB]  }
0x39: {  	_ = 	snop;
	(pc) =	sbr.ind lr, $3  }
0x3a: {  	_ = 	snop  }
0x3b: {  	_ = 	snop  }
0x3c: {  	p2 =	seq.s32 s10, $0x1;
	s10 =	sld [smem:$0x3FBA]  }
0x3d: {  	_ =	shalt  }
0x3e: {  	_ =	shalt  }
0x3f: {  	_ =	shalt  }
0x40: {  	_ =	shalt  }
0x41: {  	_ =	shalt  }
0x42: {  	_ =	shalt  }
0x43: {  	_ =	shalt  }
0x44: {  	_ =	shalt  }
0x45: {  	_ =	shalt  }
0x46: {  	_ =	shalt  }
0x47: {  	_ =	shalt  }
0x48: {  	_ =	shalt  }
0x49: {  	_ =	shalt  }
0x4a: {  	_ =	shalt  }
0x4b: {  	_ =	shalt  }
0x4c: {  	_ =	shalt  }
0x4d: {  	_ =	shalt  }
0x4e: {  	_ =	shalt  }
0x4f: {  	_ =	shalt  }
0x50: {  	_ =	shalt  }
0x51: {  	_ =	shalt  }
0x52: {  	_ =	shalt  }
0x53: {  	_ =	shalt  }
0x54: {  	_ =	shalt  }
0x55: {  	_ =	shalt  }
0x56: {  	_ =	shalt  }
0x57: {  	_ =	shalt  }
0x58: {  	_ =	shalt  }
0x59: {  	_ =	shalt  }
0x5a: {  	_ =	shalt  }
0x5b: {  	_ =	shalt  }
0x5c: {  	_ =	shalt  }
0x5d: {  	_ =	shalt  }
0x5e: {  	_ =	shalt  }
0x5f: {  	_ =	shalt  }
0x60: {  	_ =	shalt  }
0x61: {  	_ =	shalt  }
0x62: {  	_ =	shalt  }
0x63: {  	_ =	shalt  }
0x64: {  	_ =	shalt  }
0x65: {  	_ =	shalt  }
0x66: {  	_ =	shalt  }
0x67: {  	_ =	shalt  }
0x68: {  	_ =	shalt  }
0x69: {  	_ =	shalt  }
0x6a: {  	_ =	shalt  }
0x6b: {  	_ =	shalt  }
0x6c: {  	_ =	shalt  }
0x6d: {  	_ =	shalt  }
0x6e: {  	_ =	shalt  }
0x6f: {  	_ =	shalt  }
0x70: {  	_ =	shalt  }
0x71: {  	_ =	shalt  }
0x72: {  	_ =	shalt  }
0x73: {  	_ =	shalt  }
0x74: {  	_ =	shalt  }
0x75: {  	_ =	shalt  }
0x76: {  	_ =	shalt  }
0x77: {  	_ =	shalt  }
0x78: {  	_ =	shalt  }
0x79: {  	_ =	shalt  }
0x7a: {  	_ =	shalt  }
0x7b: {  	_ =	shalt  }
0x7c: {  	_ =	shalt  }
0x7d: {  	_ =	shalt  }
0x7e: {  	_ =	shalt  }
0x7f: {  	_ =	shalt  }
0x80: {  	_ =	shalt  }
0x81: {  	_ =	shalt  }
0x82: {  	_ =	shalt  }
0x83: {  	_ =	shalt  }
0x84: {  	_ =	shalt  }
0x85: {  	_ =	shalt  }
0x86: {  	_ =	shalt  }
0x87: {  	_ =	shalt  }
.Lfunc_end0:
.L_simem_size_0:
called_computation_lowered:
.L_overlay_start_0:
0x88: {  	s2 =	sld [smem:$0x3FD9]  }
0x89: {  	s3 =	sld [smem:$0x3FFE];
	_ =	sdelay $0x1  }
0x8a: {  	s1 =	srdreg.scid  }
0x8b: {  	s0 =	sand.u32 $0x1, s1  }
0x8c: {  	s16 =	sshll.u32 s0, $0xA;
	s2 =	sadd.s32 s3, s2  }
0x8d: {  	s2 =	sadd.s32 s2, s16  }
0x8e: {  	[smem:$0x3FC6] =	sst s2  }
0x8f: {  	_ = 	snop  }
0x90: {  	(tm) =	ssettm $0x1  }
0x91: {  	s17 =	sld [smem:$0x3FFB];
	_ =	sdelay $0x3  }
0x92: {  	_ =	strace s17  }
0x93: {  	s2 =	sld [smem:$0x3FFC];
	_ =	sdelay $0x3  }
0x94: {  	_ =	strace s2  }
0x95: {  	s2 =	sld [smem:$0x3FFD];
	_ =	sdelay $0x3  }
0x96: {  	_ =	strace s2  }
0x97: {  	_ =	strace $0x8FFFFFFF  }
0x98: {  	s18 =	sld [smem:$0x3FDB];
	_ =	sdelay $0x1  }
0x99: {  	s19 =	simm.s32 $_scs_section_size  }
0x9a: {  	s4 =	simm.s32 $_size__tile_overlayer_lowered;
	s5 =	simm.s32 $_tile_overlayer_lowered  }
0x9b: {  	s22 =	simm.s32 $0x1BFF;
	s21 =	sshll.u32 s5, $0x1;
	s2 =	sadd.s32 s19, s18  }
0x9c: {  	s6 =	simm.s32 $0x0;
	s20 =	sshll.u32 s4, $0x1;
	s4 =	sadd.s32 s21, s2  }
0x9d: {  	[timem:s6], [sflag:s22] =	dma.local [hbm:s4], s20  }
0x9e: {  	_ =	swait.ge [sflag:s22], s20  }
0x9f: {  	s3 =	ssub.s32 $0x0, s20;
	[sflag:s22] =	ssyncset.done $0x0  }
0xa0: {  	[sflag:s22] =	ssyncadd.s32 s3;
	_ =	sdelay $0x1  }
0xa1: {  	s23 =	simm.s32 $0x1B8B  }
0xa2: {  	_ =	swait.ge [sflag:s23], $0x1  }
0xa3: {  	[sflag:s23] =	ssyncset.done $0x0  }
0xa4: {  	s25 =	simm.s32 $0x1B8E;
	s24 =	sld [smem:$0x3FFE];
	[sflag:s23] =	ssyncadd.s32 $0xFFFFFFFF  }
0xa5: {  	s26 =	simm.s32 $execute0_lowered;
	[smem:$0x3FD2] =	sst s25  }
0xa6: {  	s4 =	sshll.u32 s26, $0x1;
	_ =	strace $0x80000046;
	[dreg:$0x1] =	wrdreg $0xFFFFFFFF  }
0xa7: {  	s28 =	simm.s32 $_size_execute0_lowered;
	s2 =	sadd.s32 s2, s4;
	[dreg:$0x0] =	wrdreg $0x0  }
0xa8: {  	s4 =	sshll.u32 s28, $0x1;
	[dreg:$0x2] =	wrdreg s2  }
0xa9: {  	[dreg:$0x3] =	wrdreg s4  }
0xaa: {  	[dreg:$0x4] =	wrdreg $0xC0  }
0xab: {  	_ =	task [dreg:s6], $0x5FFFF  }
0xac: {  	[dreg:$0x1] =	wrdreg $0xFFFFFFFF  }
0xad: {  	[dreg:$0x0] =	wrdreg $0x60  }
0xae: {  	[dreg:$0x2] =	wrdreg s24  }
0xaf: {  	[dreg:$0x3] =	wrdreg $0x9  }
0xb0: {  	_ =	task.clear_ibuf [dreg:s6], $0x4FFFF;
	_ =	strace $0x90000046  }
0xb1: {  	s29 =	simm.s32 $0x9;
	_ =	strace $0x80000048  }
0xb2: {  	_ =	swait.ge [sflag:s29], $0x1  }
0xb3: {  	[sflag:s29] =	ssyncadd.s32 $0xFFFFFFFF  }
0xb4: {  	_ =	strace $0x90000048  }
0xb5: {  	_ =	sfence  }
0xb6: {  	s30 =	sld [smem:$0x0];
	_ =	sdelay $0x2  }
0xb7: {  	s31 =	sshll.u32 s1, $0xD;
	s1 =	sshrl.u32 s1, $0x2  }
0xb8: {  	s3 =	sand.u32 $0x4000, s31;
	s1 =	sadd.s32 s1, s30  }
0xb9: {  	s0 =	sor.u32 s3, s0;
	s1 =	sshll.u32 s1, $0x11  }
0xba: {  	s0 =	sor.u32 s1, s0  }
0xbb: {  	s0 =	sadd.s32 $0x8F2B, s0  }
0xbc: {  	[sflag:s0] =	ssyncadd.remote.s32 $0x1  }
0xbd: {  	_ =	sfence.sel $0xFFFF  }
0xbe: {  	[dreg:$0x0] =	wrdreg $0xFFFFFFFF;
	(pc) =	sbr.abs _section_cstart, $3  }
0xbf: {  	[dreg:$0x1] =	wrdreg $0xFFFFFFFF  }
0xc0: {  	_ =	task.clear_ibuf [dreg:s6], $0x2FFFF;
	_ =	strace $0x9FFFFFFF  }
0xc1: {  	(tm) =	ssettm $0x7FFFFFFF  }
tec
execute0_lowered:
.L_overlay_start_1:
0x0: {  	(tag) =	ssettag $0x1  }
0x1: {  	s5 =	rddreg [dreg:$0x0];
	s2 =	srdreg.scid  }
0x2: {  	s0 =	rddreg [dreg:$0x1];
	s1 =	stileid.u32  }
0x3: {  	s8 =	simm.s32 $0x2;
	s9 =	simm.s32 $0x80;
	s10 =	simm.s32 $0x1  }
0x4: {  	s11 =	simm.s32 $0x8000;
	s12 =	simm.s32 $0x0;
	s4 =	sand.u32 $0x1, s2  }
0x5: {  	s2 =	simm.s32 $0x0;
	s3 =	sshll.u32 s1, $0xF;
	s6 =	sshll.u32 s4, $0xE  }
0x6: {  	[smem:$0x7FF] =	sst s2;
	s7 =	ssub.s32 $0x2, s4;
	s3 =	sor.u32 s6, s3  }
0x7: {  	s4 =	sadd.s32 $0x820C00, s5;
	s31 =	sshrl.u32 s7, $0x1;
	s6 =	sshrl.u32 s3, $0x3  }
0x8: {  	v0 =	vlaneseq.u32;
	_ =	strace $0x80000047;
	s7 =	ssub.s32 s7, s31;
	s6 =	sadd.s32 s6, s5  }
0x9: {  	v0 =	vmul.u32 $0x50, v0;
	s7 =	smax.u32 s7, $0x1;
	s5 =	sadd.s32 $0xC00, s6;
	s6 =	sadd.s32 $0xD20C00, s6  }
.LBB2_1:
0xa: {  	[tilespmem:s2], [sflag:$0x2] =	stream.linear.gather [hbm4b:s5+s2], $0x4000, $0x38;
	[tilespmem:$0xC000] =	vst v63  }
0xb: {  	_ =	swait.ge [sflag:s8], $0x4000  }
0xc: {  	[sflag:s8] =	ssyncset.done $0x0  }
0xd: {  	s14 =	simm.s32 $0x40;
	[sflag:s8] =	ssyncadd.s32 $0xFFFFC000  }
0xe: {  	v1 =	vld [tilespmem:s14+$0xFFFFFFC0];
	_ =	sdelay $0x2  }
0xf: {  	s15 =	sadd.s32 $0x0, s3  }
0x10: {  	v2 =	vmov s15  }
0x11: {  	v2 =	vmul.u32 $0x50, v2;
	v1 =	vadd.s32 $0xFFFFFFFF, v1  }
0x12: {  	vm0 =	vgt.s32 v1, $0x0  }
0x13: {  	v2 =	vbroadcast v2, $0x0;
	v1 =	vnsel vm0, $0x0, v1  }
0x14: {  	v1 =	vmin.u32 v1, $0x4F  }
0x15: {  	v1 =	vadd.s32 v2, v1  }
0x16: {  	s13 =	simm.s32 $0x4000;
	v1 =	vadd.s32 v0, v1  }
0x17: {  	[tilespmem:s13+$0x0] =	vst v1  }
0x18: {  	v1 =	vld [tilespmem:s14+$0xFFFFFFD0];
	_ =	sdelay $0x2  }
0x19: {  	s16 =	sadd.s32 $0x10, s15  }
0x1a: {  	v2 =	vmov s16  }
0x1b: {  	v2 =	vmul.u32 $0x50, v2;
	v1 =	vadd.s32 $0xFFFFFFFF, v1  }
0x1c: {  	vm9 =	vgt.s32 v1, $0x0  }
0x1d: {  	v2 =	vbroadcast v2, $0x0;
	v1 =	vnsel vm9, $0x0, v1  }
0x1e: {  	v1 =	vmin.u32 v1, $0x4F  }
0x1f: {  	v1 =	vadd.s32 v1, v2  }
0x20: {  	v1 =	vadd.s32 v0, v1  }
0x21: {  	[tilespmem:s13+$0x10] =	vst v1  }
0x22: {  	v1 =	vld [tilespmem:s14+$0xFFFFFFE0];
	_ =	sdelay $0x2  }
0x23: {  	s25 =	sadd.s32 $0x20, s15  }
0x24: {  	v2 =	vmov s25  }
0x25: {  	v2 =	vmul.u32 $0x50, v2;
	v1 =	vadd.s32 $0xFFFFFFFF, v1  }
0x26: {  	vm10 =	vgt.s32 v1, $0x0  }
0x27: {  	v2 =	vbroadcast v2, $0x0;
	v1 =	vnsel vm10, $0x0, v1  }
0x28: {  	v1 =	vmin.u32 v1, $0x4F  }
0x29: {  	v1 =	vadd.s32 v1, v2  }
0x2a: {  	v1 =	vadd.s32 v0, v1  }
0x2b: {  	[tilespmem:s13+$0x20] =	vst v1  }
0x2c: {  	v1 =	vld [tilespmem:s14+$0xFFFFFFF0];
	_ =	sdelay $0x2  }
0x2d: {  	s26 =	sadd.s32 $0x30, s15  }
0x2e: {  	v2 =	vmov s26  }
0x2f: {  	v2 =	vmul.u32 $0x50, v2;
	v1 =	vadd.s32 $0xFFFFFFFF, v1  }
0x30: {  	vm11 =	vgt.s32 v1, $0x0  }
0x31: {  	v2 =	vbroadcast v2, $0x0;
	v1 =	vnsel vm11, $0x0, v1  }
0x32: {  	v1 =	vmin.u32 v1, $0x4F  }
0x33: {  	v1 =	vadd.s32 v1, v2  }
0x34: {  	v1 =	vadd.s32 v0, v1  }
0x35: {  	[tilespmem:s13+$0x30] =	vst v1  }
0x36: {  	v1 =	vld [tilespmem:s14+$0x0];
	_ =	sdelay $0x2  }
0x37: {  	s28 =	sadd.s32 $0x40, s15  }
0x38: {  	v2 =	vmov s28  }
0x39: {  	v2 =	vmul.u32 $0x50, v2;
	v1 =	vadd.s32 $0xFFFFFFFF, v1  }
0x3a: {  	vm12 =	vgt.s32 v1, $0x0  }
0x3b: {  	v2 =	vbroadcast v2, $0x0;
	v1 =	vnsel vm12, $0x0, v1  }
0x3c: {  	v1 =	vmin.u32 v1, $0x4F  }
0x3d: {  	v1 =	vadd.s32 v1, v2  }
0x3e: {  	v1 =	vadd.s32 v0, v1  }
0x3f: {  	[tilespmem:s13+$0x40] =	vst v1  }
0x40: {  	v1 =	vld [tilespmem:s14+$0x10];
	_ =	sdelay $0x2  }
0x41: {  	s29 =	sadd.s32 $0x50, s15  }
0x42: {  	v2 =	vmov s29  }
0x43: {  	v2 =	vmul.u32 $0x50, v2;
	v1 =	vadd.s32 $0xFFFFFFFF, v1  }
0x44: {  	vm13 =	vgt.s32 v1, $0x0  }
0x45: {  	v2 =	vbroadcast v2, $0x0;
	v1 =	vnsel vm13, $0x0, v1  }
0x46: {  	v1 =	vmin.u32 v1, $0x4F  }
0x47: {  	v1 =	vadd.s32 v1, v2  }
0x48: {  	v1 =	vadd.s32 v0, v1  }
0x49: {  	[tilespmem:s13+$0x50] =	vst v1  }
0x4a: {  	v1 =	vld [tilespmem:s14+$0x20];
	_ =	sdelay $0x2  }
0x4b: {  	s30 =	sadd.s32 $0x60, s15  }
0x4c: {  	v2 =	vmov s30  }
0x4d: {  	v2 =	vmul.u32 $0x50, v2;
	v1 =	vadd.s32 $0xFFFFFFFF, v1  }
0x4e: {  	vm14 =	vgt.s32 v1, $0x0  }
0x4f: {  	v2 =	vbroadcast v2, $0x0;
	v1 =	vnsel vm14, $0x0, v1  }
0x50: {  	v1 =	vmin.u32 v1, $0x4F  }
0x51: {  	v1 =	vadd.s32 v1, v2  }
0x52: {  	v1 =	vadd.s32 v0, v1  }
0x53: {  	[tilespmem:s13+$0x60] =	vst v1  }
0x54: {  	v1 =	vld [tilespmem:s14+$0x30];
	_ =	sdelay $0x2  }
0x55: {  	s31 =	sadd.s32 $0x70, s15  }
0x56: {  	v2 =	vmov s31  }
0x57: {  	v2 =	vmul.u32 $0x50, v2;
	v1 =	vadd.s32 $0xFFFFFFFF, v1  }
0x58: {  	vm15 =	vgt.s32 v1, $0x0  }
0x59: {  	v2 =	vbroadcast v2, $0x0;
	v1 =	vnsel vm15, $0x0, v1  }
0x5a: {  	v1 =	vmin.u32 v1, $0x4F  }
0x5b: {  	v1 =	vadd.s32 v1, v2  }
0x5c: {  	s17 =	simm.s32 $0xC0;
	s18 =	simm.s32 $0x8000;
	v1 =	vadd.s32 v0, v1  }
0x5d: {  	s15 =	simm.s32 $0x8080;
	s16 =	simm.s32 $0x4080;
	s14 =	simm.s32 $0x80;
	[tilespmem:s13+$0x70] =	vst v1  }
.LBB2_2:
0x5e: {  	[tilespmem:s18], [sflag:$0x1] =	stream.indirect.gather [hbm4b:s4+s9], $0x1, s13, s9, $0xb8;
	[tilespmem:$0xC000] =	vst v63  }
0x5f: {  	p0 =	sne.s32 s14, $0x3F80;
	s19 =	smov.u32 s14;
	s14 =	sadd.s32 $0x80, s14;
	v1 =	vld [tilespmem:s17+$0xFFFFFFC0]  }
0x60: {  	s18 =	smov.u32 s15;
	s13 =	smov.u32 s16;
	_ =	sdelay $0x1  }
0x61: {  	s19 =	sadd.s32 s19, s3  }
0x62: {  	v2 =	vmov s19;
	s20 =	sadd.s32 $0x10, s19;
	s21 =	sadd.s32 $0x20, s19;
	s22 =	sadd.s32 $0x30, s19  }
0x63: {  	s23 =	sadd.s32 $0x50, s19;
	s24 =	sadd.s32 $0x60, s19;
	v2 =	vmul.u32 $0x50, v2;
	v3 =	vmov s20;
	s20 =	sadd.s32 $0x40, s19;
	v1 =	vadd.s32 $0xFFFFFFFF, v1  }
0x64: {  	v4 =	vmov s21;
	s19 =	sadd.s32 $0x70, s19;
	v3 =	vmul.u32 $0x50, v3;
	vm0 =	vgt.s32 v1, $0x0  }
0x65: {  	v4 =	vmul.u32 $0x50, v4;
	v2 =	vbroadcast v2, $0x0;
	v1 =	vnsel vm0, $0x0, v1  }
0x66: {  	v5 =	vmov s22;
	v6 =	vmov s20;
	v1 =	vmin.u32 v1, $0x4F  }
0x67: {  	v1 =	vadd.s32 v2, v1;
	v2 =	vmul.u32 $0x50, v5;
	v5 =	vmul.u32 $0x50, v6  }
0x68: {  	v7 =	vmov s24;
	v6 =	vmov s23;
	v1 =	vadd.s32 v0, v1  }
0x69: {  	v7 =	vmul.u32 $0x50, v7;
	v6 =	vmul.u32 $0x50, v6;
	[tilespmem:s16+$0x0] =	vst v1;
	v1 =	vmov s19  }
0x6a: {  	v8 =	vld [tilespmem:s17+$0xFFFFFFD0];
	v1 =	vmul.u32 $0x50, v1;
	_ =	sdelay $0x4  }
0x6b: {  	v8 =	vadd.s32 $0xFFFFFFFF, v8  }
0x6c: {  	vm0 =	vgt.s32 v8, $0x0  }
0x6d: {  	v3 =	vbroadcast v3, $0x0;
	v8 =	vnsel vm0, $0x0, v8  }
0x6e: {  	v8 =	vmin.u32 v8, $0x4F  }
0x6f: {  	v3 =	vadd.s32 v8, v3  }
0x70: {  	v3 =	vadd.s32 v0, v3  }
0x71: {  	[tilespmem:s16+$0x10] =	vst v3  }
0x72: {  	v3 =	vld [tilespmem:s17+$0xFFFFFFE0];
	_ =	sdelay $0x4  }
0x73: {  	v3 =	vadd.s32 $0xFFFFFFFF, v3  }
0x74: {  	vm0 =	vgt.s32 v3, $0x0  }
0x75: {  	v4 =	vbroadcast v4, $0x0;
	v3 =	vnsel vm0, $0x0, v3  }
0x76: {  	v3 =	vmin.u32 v3, $0x4F  }
0x77: {  	v3 =	vadd.s32 v3, v4  }
0x78: {  	v3 =	vadd.s32 v0, v3  }
0x79: {  	[tilespmem:s16+$0x20] =	vst v3  }
0x7a: {  	v3 =	vld [tilespmem:s17+$0xFFFFFFF0];
	_ =	sdelay $0x4  }
0x7b: {  	v3 =	vadd.s32 $0xFFFFFFFF, v3  }
0x7c: {  	vm0 =	vgt.s32 v3, $0x0  }
0x7d: {  	v2 =	vbroadcast v2, $0x0;
	v3 =	vnsel vm0, $0x0, v3  }
0x7e: {  	v3 =	vmin.u32 v3, $0x4F  }
0x7f: {  	v2 =	vadd.s32 v3, v2  }
0x80: {  	v2 =	vadd.s32 v0, v2  }
0x81: {  	[tilespmem:s16+$0x30] =	vst v2  }
0x82: {  	v2 =	vld [tilespmem:s17+$0x0];
	_ =	sdelay $0x4  }
0x83: {  	v2 =	vadd.s32 $0xFFFFFFFF, v2  }
0x84: {  	vm0 =	vgt.s32 v2, $0x0  }
0x85: {  	v3 =	vbroadcast v5, $0x0;
	v2 =	vnsel vm0, $0x0, v2  }
0x86: {  	v2 =	vmin.u32 v2, $0x4F  }
0x87: {  	v2 =	vadd.s32 v2, v3  }
0x88: {  	v2 =	vadd.s32 v0, v2  }
0x89: {  	[tilespmem:s16+$0x40] =	vst v2  }
0x8a: {  	v2 =	vld [tilespmem:s17+$0x10];
	_ =	sdelay $0x4  }
0x8b: {  	v2 =	vadd.s32 $0xFFFFFFFF, v2  }
0x8c: {  	vm0 =	vgt.s32 v2, $0x0  }
0x8d: {  	v3 =	vbroadcast v6, $0x0;
	v2 =	vnsel vm0, $0x0, v2  }
0x8e: {  	v2 =	vmin.u32 v2, $0x4F  }
0x8f: {  	v2 =	vadd.s32 v2, v3  }
0x90: {  	v2 =	vadd.s32 v0, v2  }
0x91: {  	[tilespmem:s16+$0x50] =	vst v2  }
0x92: {  	v2 =	vld [tilespmem:s17+$0x20];
	_ =	sdelay $0x4  }
0x93: {  	v2 =	vadd.s32 $0xFFFFFFFF, v2  }
0x94: {  	vm0 =	vgt.s32 v2, $0x0  }
0x95: {  	v3 =	vbroadcast v7, $0x0;
	v2 =	vnsel vm0, $0x0, v2  }
0x96: {  	v2 =	vmin.u32 v2, $0x4F  }
0x97: {  	v2 =	vadd.s32 v2, v3  }
0x98: {  	v2 =	vadd.s32 v0, v2  }
0x99: {  	[tilespmem:s16+$0x60] =	vst v2  }
0x9a: {  	v2 =	vld [tilespmem:s17+$0x30];
	_ =	sdelay $0x4  }
0x9b: {  	v2 =	vadd.s32 $0xFFFFFFFF, v2  }
0x9c: {  	vm0 =	vgt.s32 v2, $0x0  }
.Ltmp0:
0x9d: {  	v1 =	vbroadcast v1, $0x0;
	v2 =	vnsel vm0, $0x0, v2;
	(pc) =	sbr.rel @p0 .LBB2_2-.Ltmp0, $4  }
0x9e: {  	v2 =	vmin.u32 v2, $0x4F  }
0x9f: {  	v1 =	vadd.s32 v2, v1  }
0xa0: {  	v1 =	vadd.s32 v0, v1  }
0xa1: {  	s15 =	sadd.s32 $0x80, s15;
	s16 =	sadd.s32 $0x80, s16;
	s17 =	sadd.s32 $0x80, s17;
	[tilespmem:s13+$0x70] =	vst v1  }
0xa2: {  	[tilespmem:s18], [sflag:$0x1] =	stream.indirect.gather [hbm4b:s4+s9], $0x1, s13, s9, $0xb8;
	[tilespmem:$0xC000] =	vst v63  }
0xa3: {  	s12 =	sadd.s32 $0x1, s12;
	_ =	swait.ge [sflag:s10], $0x4000  }
0xa4: {  	p0 =	sne.s32 s12, s7;
	[sflag:s10] =	ssyncset.done $0x0  }
.Ltmp1:
0xa5: {  	[sflag:s10] =	ssyncadd.s32 $0xFFFFC000;
	(pc) =	sbr.rel @p0 .LBB2_1-.Ltmp1, $4  }
0xa6: {  	[hbm4b:s6+s2] =	stream.linear.scatter [tilespmem:s11], [sflag:$0x2], $0x4000, $0x38;
	[tilespmem:$0xC000] =	vst v63  }
0xa7: {  	_ =	swait.ge [sflag:s8], $0x4000  }
0xa8: {  	[sflag:s8] =	ssyncset.done $0x0  }
0xa9: {  	[sflag:s8] =	ssyncadd.s32 $0xFFFFC000  }
0xaa: {  	_ =	sfence.sel $0x180000  }
0xab: {  	[bflag:$0x0] =	sbarrier.arrive $0xFFFF  }
0xac: {  	p0 =	sne.s32 s1, $0x0;
	_ =	strace $0x90000047  }
0xad: {  	s0 =	sadd.s32 @!p0 $0x100000, s0;
	[bflag:$0x2] =	sbarrier.arrive $0xFFFF  }
0xae: {  	[sflag:s0] =	ssyncadd.tile.s32 @!p0 $0x1;
	_ =	shalt  }
.Lfunc_end2:
_tile_overlayer_lowered:
.L_overlay_start_2:
0xaf: {  	(tag) =	ssettag $0x2  }
0xb0: {  	s0 =	rddreg [dreg:$0x0];
	s2 =	stileid.u32  }
0xb1: {  	s1 =	rddreg [dreg:$0x1];
	p0 =	sne.s32 s2, $0x0  }
0xb2: {  	s3 =	rddreg [dreg:$0x2];
	[bflag:$0x3] =	sbarrier.arrive $0xFFFF;
	s2 =	simm.s32 @!p0 $0x1C02  }
0xb3: {  	[timem:s3], [sflag:s2] =	dma.local @!p0 [hbm:s0], s1  }
0xb4: {  	s0 =	simm.s32 @!p0 $0x2  }
0xb5: {  	_ =	swait.ge @!p0 [sflag:s0], s1  }
0xb6: {  	s1 =	ssub.s32 @!p0 $0x0, s1;
	[sflag:s0] =	ssyncset.done @!p0 $0x0  }
0xb7: {  	[sflag:s0] =	ssyncadd.s32 @!p0 s1  }
0xb8: {  	[bflag:$0x3] =	sbarrier.arrive $0xFFFF  }
0xb9: {  	_ =	shalt  }

</sc_bundles>
